<compile_context>
chip_gen: v7x
topology: tpu7x:2x2x1
jax: 0.10.2.dev20260603
libtpu: 0.0.44.dev20260713+nightly
codegen_flags: <defaults>
</compile_context>

<pallas_src>
import functools

import jax
import jax.numpy as jnp
from jax import lax
from jax.experimental import pallas as pl
from jax.experimental.pallas import tpu as pltpu
from jax.experimental.pallas import tpu_sc as plsc

_FREEZE_RATIO = 0.9
_NUM_CORES = 2
_NUM_SUBCORES = 16
_NW = _NUM_CORES * _NUM_SUBCORES
_LANES = 16
_GROUP = 8
_CHUNK_GROUPS = 4


@functools.cache
def _build(batch, seq, d):
    total = batch * seq
    target = int(total * _FREEZE_RATIO)
    chunk_rows = _CHUNK_GROUPS * _GROUP

    zg = target // _GROUP
    rem = target % _GROUP
    cg0 = zg + (1 if rem else 0)
    cg_n = total // _GROUP - cg0

    zgpw = -(-zg // _NW)
    cgpw = -(-cg_n // _NW)
    nzc = -(-zgpw // _CHUNK_GROUPS)
    ncc = -(-cgpw // _CHUNK_GROUPS)

    assert d % _LANES == 0 and total % _GROUP == 0
    assert zg >= _CHUNK_GROUPS and cg_n >= _CHUNK_GROUPS
    assert 4 * d * (chunk_rows * (1 + ncc) + _GROUP) <= 500_000

    def body(*refs):
        in_ref, out_ref, cnt_ref = refs[:3]
        zbuf = refs[3]
        dbufs = refs[4:4 + ncc]
        bbuf = refs[4 + ncc]
        cntbuf = refs[5 + ncc]
        wsem = refs[6 + ncc]
        bsem = refs[7 + ncc]
        lsems = refs[8 + ncc:8 + 2 * ncc]

        w = lax.axis_index("s") * _NUM_CORES + lax.axis_index("c")

        zs = jnp.minimum(w * zgpw, zg)
        ze = jnp.minimum(zs + zgpw, zg)
        cs = jnp.minimum(w * cgpw, cg_n)
        ce = jnp.minimum(cs + cgpw, cg_n)

        def zrow(i):
            g = jnp.maximum(0, jnp.minimum(zs + i * _CHUNK_GROUPS,
                                           ze - _CHUNK_GROUPS))
            return pl.multiple_of(g * _GROUP, _GROUP)

        def crow(i):
            g = jnp.maximum(0, jnp.minimum(cs + i * _CHUNK_GROUPS,
                                           ce - _CHUNK_GROUPS))
            return pl.multiple_of((cg0 + g) * _GROUP, _GROUP)

        def zero_dma(i):
            return pltpu.make_async_copy(
                zbuf, out_ref.at[pl.ds(zrow(i), chunk_rows)], wsem)

        def load_dma(i):
            return pltpu.make_async_copy(
                in_ref.at[pl.ds(crow(i), chunk_rows)], dbufs[i], lsems[i])

        def store_dma(i):
            return pltpu.make_async_copy(
                dbufs[i], out_ref.at[pl.ds(crow(i), chunk_rows)], wsem)

        brow = zg * _GROUP

        def boundary_load():
            return pltpu.make_async_copy(
                in_ref.at[pl.ds(brow, _GROUP)], bbuf, bsem)

        def boundary_store():
            return pltpu.make_async_copy(
                bbuf, out_ref.at[pl.ds(brow, _GROUP)], wsem)

        if rem:
            @pl.when(w == _NW - 1)
            def _():
                boundary_load().start()
        for i in range(ncc):
            load_dma(i).start()

        zeros16 = jnp.zeros((_LANES,), jnp.float32)
        unroll = 16
        assert d % (_LANES * unroll) == 0

        def fill(i, carry):
            r = i // (d // (_LANES * unroll))
            c = i % (d // (_LANES * unroll))
            for u in range(unroll):
                zbuf[r, pl.ds((c * unroll + u) * _LANES, _LANES)] = zeros16
            return carry

        lax.fori_loop(0, chunk_rows * d // (_LANES * unroll), fill, 0)

        def zstart(i, carry):
            zero_dma(i).start()
            return carry

        lax.fori_loop(0, nzc, zstart, 0)

        @pl.when(w == 0)
        def _():
            cntbuf[...] = jnp.full((_LANES,), target, jnp.int32)
            pltpu.make_async_copy(cntbuf, cnt_ref, wsem).start()

        if rem:
            @pl.when(w == _NW - 1)
            def _():
                boundary_load().wait()
                zeros16 = jnp.zeros((_LANES,), jnp.float32)

                def bzero(i, carry):
                    bbuf[i // (d // _LANES),
                         pl.ds((i % (d // _LANES)) * _LANES, _LANES)] = zeros16
                    return carry

                lax.fori_loop(0, rem * (d // _LANES), bzero, 0)
                boundary_store().start()

        for i in range(ncc):
            load_dma(i).wait()
            store_dma(i).start()

        def zdrain(i, carry):
            zero_dma(i).wait()
            return carry

        lax.fori_loop(0, nzc, zdrain, 0)
        for i in range(ncc):
            store_dma(i).wait()
        if rem:
            @pl.when(w == _NW - 1)
            def _():
                boundary_store().wait()

        @pl.when(w == 0)
        def _():
            pltpu.make_async_copy(cntbuf, cnt_ref, wsem).wait()

    mesh = plsc.VectorSubcoreMesh(
        core_axis_name="c", subcore_axis_name="s",
        num_cores=_NUM_CORES, num_subcores=_NUM_SUBCORES)

    return pl.kernel(
        body,
        out_type=(
            jax.ShapeDtypeStruct((total, d), jnp.float32),
            jax.ShapeDtypeStruct((_LANES,), jnp.int32),
        ),
        mesh=mesh,
        scratch_types=(
            [pltpu.VMEM((chunk_rows, d), jnp.float32)]
            + [pltpu.VMEM((chunk_rows, d), jnp.float32)] * ncc
            + [pltpu.VMEM((_GROUP, d), jnp.float32)]
            + [pltpu.VMEM((_LANES,), jnp.int32)]
            + [pltpu.SemaphoreType.DMA]
            + [pltpu.SemaphoreType.DMA]
            + [pltpu.SemaphoreType.DMA] * ncc
        ),
    )


def kernel(tokens):
    b, s, d = tokens.shape
    out2d, cnt = _build(b, s, d)(tokens.reshape(b * s, d))
    return out2d.reshape(b, s, d), cnt[0]

# --- scband reference (transcript-rebuilt; emitter-appended) ---
"""Pipeline reference for scband-advanced-eitlossless-5927054868675 (READ-ONLY COPY).

The authoritative reference and input builder live on the scoring server;
editing this copy changes nothing except your own understanding.
"""

import jax, jax.numpy as jnp
import numpy as np

FREEZE_RATIO = 0.9


def setup_inputs(seed: int = 0) -> dict:
    key = jax.random.key(seed)
    tokens = jax.random.normal(key, (4, 4096, 1024), dtype=jnp.float32)
    return {"tokens": tokens}


def reference(tokens):
    # AdvancedEITLossless.freeze with strategy='prefix', ratio=0.9
    batch_size, seq_len, d_model = tokens.shape
    total = batch_size * seq_len
    target = int(total * FREEZE_RATIO)
    # prefix freeze mask over the flattened (batch*seq) positions
    mask_flat = jnp.arange(total) < target
    freeze_mask = mask_flat.reshape(batch_size, seq_len)
    # frozen_tokens = tokens.clone(); frozen_tokens[freeze_mask] = 0.0
    # equivalent to a scatter-overwrite of zeros at masked rows
    frozen_tokens = jnp.where(freeze_mask[:, :, None], jnp.zeros((), dtype=tokens.dtype), tokens)
    frozen_count = jnp.sum(freeze_mask.astype(jnp.int32))
    return (frozen_tokens, frozen_count)

if __name__ == "__main__":
    import jax
    _d = setup_inputs()
    print(jax.jit(kernel)(*tuple(_d.values())))

</pallas_src>

<mosaic_0001>
#map = affine_map<(d0, d1) -> (0, 0)>
#map1 = affine_map<(d0, d1) -> (0)>
module attributes {stable_mosaic.version = 14 : i64} {
  func.func @body(%arg0: i32, %arg1: i32, %arg2: memref<16384x1024xf32, #tpu.memory_space<hbm>>, %arg3: memref<16384x1024xf32, #tpu.memory_space<hbm>>, %arg4: memref<16xi32, #tpu.memory_space<hbm>>, %arg5: memref<32x1024xf32, #tpu.memory_space<vmem>>, %arg6: memref<32x1024xf32, #tpu.memory_space<vmem>>, %arg7: memref<32x1024xf32, #tpu.memory_space<vmem>>, %arg8: memref<8x1024xf32, #tpu.memory_space<vmem>>, %arg9: memref<16xi32, #tpu.memory_space<vmem>>, %arg10: memref<!tpu.dma_semaphore, #tpu.memory_space<semaphore_mem>>, %arg11: memref<!tpu.dma_semaphore, #tpu.memory_space<semaphore_mem>>, %arg12: memref<!tpu.dma_semaphore, #tpu.memory_space<semaphore_mem>>, %arg13: memref<!tpu.dma_semaphore, #tpu.memory_space<semaphore_mem>>) attributes {dimension_semantics = [#tpu.dimension_semantics<core_parallel>, #tpu.dimension_semantics<subcore_parallel>], iteration_bounds = array<i64: 2, 16>, scalar_prefetch = 0 : i64, scratch_operands = 9 : i64, tpu.core_type = #tpu.core_type<sc_vector_subcore>, window_params = [{transform_indices = #map}, {transform_indices = #map}, {transform_indices = #map1}]} {
    %mul3A = arith.constant 2 : i32
    %mul3A_0 = arith.muli %arg1, %mul3A : i32
    %add3A = arith.addi %mul3A_0, %arg0 : i32
    %mul3A_1 = arith.constant 58 : i32
    %mul3A_2 = arith.muli %add3A, %mul3A_1 : i32
    %min3A = arith.constant 1843 : i32
    %min3A_3 = arith.minsi %mul3A_2, %min3A : i32
    %add3A_4 = arith.constant 58 : i32
    %add3A_5 = arith.addi %min3A_3, %add3A_4 : i32
    %min3A_6 = arith.constant 1843 : i32
    %min3A_7 = arith.minsi %add3A_5, %min3A_6 : i32
    %mul3A_8 = arith.constant 7 : i32
    %mul3A_9 = arith.muli %add3A, %mul3A_8 : i32
    %min3A_10 = arith.constant 204 : i32
    %min3A_11 = arith.minsi %mul3A_9, %min3A_10 : i32
    %add3A_12 = arith.constant 7 : i32
    %add3A_13 = arith.addi %min3A_11, %add3A_12 : i32
    %min3A_14 = arith.constant 204 : i32
    %min3A_15 = arith.minsi %add3A_13, %min3A_14 : i32
    %eq3A = arith.constant 31 : i32
    %eq3A_16 = arith.cmpi eq, %add3A, %eq3A : i32
    %convert_element_type3A = arith.extui %eq3A_16 : i1 to i32
    %cond3A = arith.constant 0 : i32
    %cond3A_17 = arith.cmpi ne, %convert_element_type3A, %cond3A : i32
    scf.if %cond3A_17 {
      %dma_start3A_179 = arith.constant 14744 : i32
      %dma_start3A_180 = arith.constant 0 : i32
      %dma_start3A_181 = tpu.memref_slice %arg2[%dma_start3A_179, %dma_start3A_180] : memref<16384x1024xf32, #tpu.memory_space<hbm>> -> memref<8x1024xf32, #tpu.memory_space<hbm>>
      %dma_start3A_182 = arith.constant 14744 : i32
      %dma_start3A_183 = arith.constant 0 : i32
      %dma_start3A_184 = tpu.memref_slice %arg2[%dma_start3A_182, %dma_start3A_183] : memref<16384x1024xf32, #tpu.memory_space<hbm>> -> memref<8x1024xf32, #tpu.memory_space<hbm>>
      tpu.enqueue_dma source(%dma_start3A_184 : memref<8x1024xf32, #tpu.memory_space<hbm>>) target(%arg8 : memref<8x1024xf32, #tpu.memory_space<vmem>>) target_semaphore(%arg11 : memref<!tpu.dma_semaphore, #tpu.memory_space<semaphore_mem>>)
    } else {
    }
    %add3A_18 = arith.constant 0 : i32
    %add3A_19 = arith.addi %min3A_11, %add3A_18 : i32
    %sub3A = arith.constant 4 : i32
    %sub3A_20 = arith.subi %min3A_15, %sub3A : i32
    %min3A_21 = arith.minsi %add3A_19, %sub3A_20 : i32
    %max3A = arith.constant 0 : i32
    %max3A_22 = arith.maxsi %max3A, %min3A_21 : i32
    %add3A_23 = arith.constant 1844 : i32
    %add3A_24 = arith.addi %add3A_23, %max3A_22 : i32
    %mul3A_25 = arith.constant 8 : i32
    %mul3A_26 = arith.muli %add3A_24, %mul3A_25 : i32
    %multiple_of3A = tpu.assume_multiple %mul3A_26, 8 : i32
    %dma_start3A = arith.constant 0 : i32
    %dma_start3A_27 = tpu.memref_slice %arg2[%multiple_of3A, %dma_start3A] : memref<16384x1024xf32, #tpu.memory_space<hbm>> -> memref<32x1024xf32, #tpu.memory_space<hbm>>
    %dma_start3A_28 = arith.constant 0 : i32
    %dma_start3A_29 = tpu.memref_slice %arg2[%multiple_of3A, %dma_start3A_28] : memref<16384x1024xf32, #tpu.memory_space<hbm>> -> memref<32x1024xf32, #tpu.memory_space<hbm>>
    tpu.enqueue_dma source(%dma_start3A_29 : memref<32x1024xf32, #tpu.memory_space<hbm>>) target(%arg6 : memref<32x1024xf32, #tpu.memory_space<vmem>>) target_semaphore(%arg12 : memref<!tpu.dma_semaphore, #tpu.memory_space<semaphore_mem>>)
    %add3A_30 = arith.constant 4 : i32
    %add3A_31 = arith.addi %min3A_11, %add3A_30 : i32
    %sub3A_32 = arith.constant 4 : i32
    %sub3A_33 = arith.subi %min3A_15, %sub3A_32 : i32
    %min3A_34 = arith.minsi %add3A_31, %sub3A_33 : i32
    %max3A_35 = arith.constant 0 : i32
    %max3A_36 = arith.maxsi %max3A_35, %min3A_34 : i32
    %add3A_37 = arith.constant 1844 : i32
    %add3A_38 = arith.addi %add3A_37, %max3A_36 : i32
    %mul3A_39 = arith.constant 8 : i32
    %mul3A_40 = arith.muli %add3A_38, %mul3A_39 : i32
    %multiple_of3A_41 = tpu.assume_multiple %mul3A_40, 8 : i32
    %dma_start3A_42 = arith.constant 0 : i32
    %dma_start3A_43 = tpu.memref_slice %arg2[%multiple_of3A_41, %dma_start3A_42] : memref<16384x1024xf32, #tpu.memory_space<hbm>> -> memref<32x1024xf32, #tpu.memory_space<hbm>>
    %dma_start3A_44 = arith.constant 0 : i32
    %dma_start3A_45 = tpu.memref_slice %arg2[%multiple_of3A_41, %dma_start3A_44] : memref<16384x1024xf32, #tpu.memory_space<hbm>> -> memref<32x1024xf32, #tpu.memory_space<hbm>>
    tpu.enqueue_dma source(%dma_start3A_45 : memref<32x1024xf32, #tpu.memory_space<hbm>>) target(%arg7 : memref<32x1024xf32, #tpu.memory_space<vmem>>) target_semaphore(%arg13 : memref<!tpu.dma_semaphore, #tpu.memory_space<semaphore_mem>>)
    %broadcast_in_dim3A = arith.constant 0.000000e+00 : f32
    %broadcast_in_dim3A_46 = vector.broadcast %broadcast_in_dim3A : f32 to vector<16xf32>
    %scan3A = arith.constant 0 : i32
    %scan3A_47 = arith.constant 0 : i32
    %scan3A_48 = arith.constant 128 : i32
    %scan3A_49 = arith.addi %scan3A_47, %scan3A_48 : i32
    %scan3A_50 = arith.constant 1 : i32
    scf.for %scan3A_179 = %scan3A_47 to %scan3A_49 step %scan3A_50  : i32 {
      %jit3A = arith.constant 4 : i32
      %div3A = arith.divsi %scan3A_179, %jit3A : i32
      %sign3A = arith.constant 0 : i32
      %sign3A_180 = arith.cmpi sgt, %scan3A_179, %sign3A : i32
      %sign3A_181 = arith.extui %sign3A_180 : i1 to i32
      %sign3A_182 = arith.constant 0 : i32
      %sign3A_183 = arith.cmpi slt, %scan3A_179, %sign3A_182 : i32
      %sign3A_184 = arith.extui %sign3A_183 : i1 to i32
      %sign3A_185 = arith.subi %sign3A_181, %sign3A_184 : i32
      %sign3A_186 = arith.constant 0 : i32
      %sign3A_187 = arith.cmpi sgt, %jit3A, %sign3A_186 : i32
      %sign3A_188 = arith.extui %sign3A_187 : i1 to i32
      %sign3A_189 = arith.constant 0 : i32
      %sign3A_190 = arith.cmpi slt, %jit3A, %sign3A_189 : i32
      %sign3A_191 = arith.extui %sign3A_190 : i1 to i32
      %sign3A_192 = arith.subi %sign3A_188, %sign3A_191 : i32
      %ne3A = arith.cmpi ne, %sign3A_185, %sign3A_192 : i32
      %rem3A = arith.remsi %scan3A_179, %jit3A : i32
      %ne3A_193 = arith.constant 0 : i32
      %ne3A_194 = arith.cmpi ne, %rem3A, %ne3A_193 : i32
      %and3A = arith.andi %ne3A, %ne3A_194 : i1
      %sub3A_195 = arith.constant 1 : i32
      %sub3A_196 = arith.subi %div3A, %sub3A_195 : i32
      %select_n3A = arith.select %and3A, %sub3A_196, %div3A : i32
      %jit3A_197 = arith.constant 4 : i32
      %eq3A_198 = arith.constant 0 : i32
      %eq3A_199 = arith.cmpi eq, %jit3A_197, %eq3A_198 : i32
      %jit3A_200 = arith.constant 1 : i32
      %select_n3A_201 = arith.select %eq3A_199, %jit3A_200, %jit3A_197 : i32
      %rem3A_202 = arith.remsi %scan3A_179, %select_n3A_201 : i32
      %ne3A_203 = arith.constant 0 : i32
      %ne3A_204 = arith.cmpi ne, %rem3A_202, %ne3A_203 : i32
      %lt3A = arith.constant 0 : i32
      %lt3A_205 = arith.cmpi slt, %rem3A_202, %lt3A : i32
      %lt3A_206 = arith.constant 0 : i32
      %lt3A_207 = arith.cmpi slt, %select_n3A_201, %lt3A_206 : i32
      %ne3A_208 = arith.xori %lt3A_205, %lt3A_207 : i1
      %and3A_209 = arith.andi %ne3A_208, %ne3A_204 : i1
      %add3A_210 = arith.addi %rem3A_202, %select_n3A_201 : i32
      %select_n3A_211 = arith.select %and3A_209, %add3A_210, %rem3A_202 : i32
      %mul3A_212 = arith.constant 16 : i32
      %mul3A_213 = arith.muli %select_n3A_211, %mul3A_212 : i32
      %add3A_214 = arith.constant 0 : i32
      %add3A_215 = arith.addi %mul3A_213, %add3A_214 : i32
      %mul3A_216 = arith.constant 16 : i32
      %mul3A_217 = arith.muli %add3A_215, %mul3A_216 : i32
      %swap3A = arith.index_cast %select_n3A : i32 to index
      %swap3A_218 = arith.index_cast %mul3A_217 : i32 to index
      %swap3A_219 = tpu.vector_load %arg5[%swap3A, %swap3A_218] {strides = array<i32>} : memref<32x1024xf32, #tpu.memory_space<vmem>>, vector<1x16xf32>,
      %swap3A_220 = vector.shape_cast %swap3A_219 : vector<1x16xf32> to vector<16xf32>
      %swap3A_221 = vector.shape_cast %broadcast_in_dim3A_46 : vector<16xf32> to vector<1x16xf32>
      tpu.vector_store %arg5[%swap3A, %swap3A_218], %swap3A_221 {strides = array<i32>} : memref<32x1024xf32, #tpu.memory_space<vmem>>, vector<1x16xf32>,
      %mul3A_222 = arith.constant 16 : i32
      %mul3A_223 = arith.muli %select_n3A_211, %mul3A_222 : i32
      %add3A_224 = arith.constant 1 : i32
      %add3A_225 = arith.addi %mul3A_223, %add3A_224 : i32
      %mul3A_226 = arith.constant 16 : i32
      %mul3A_227 = arith.muli %add3A_225, %mul3A_226 : i32
      %swap3A_228 = arith.index_cast %select_n3A : i32 to index
      %swap3A_229 = arith.index_cast %mul3A_227 : i32 to index
      %swap3A_230 = tpu.vector_load %arg5[%swap3A_228, %swap3A_229] {strides = array<i32>} : memref<32x1024xf32, #tpu.memory_space<vmem>>, vector<1x16xf32>,
      %swap3A_231 = vector.shape_cast %swap3A_230 : vector<1x16xf32> to vector<16xf32>
      %swap3A_232 = vector.shape_cast %broadcast_in_dim3A_46 : vector<16xf32> to vector<1x16xf32>
      tpu.vector_store %arg5[%swap3A_228, %swap3A_229], %swap3A_232 {strides = array<i32>} : memref<32x1024xf32, #tpu.memory_space<vmem>>, vector<1x16xf32>,
      %mul3A_233 = arith.constant 16 : i32
      %mul3A_234 = arith.muli %select_n3A_211, %mul3A_233 : i32
      %add3A_235 = arith.constant 2 : i32
      %add3A_236 = arith.addi %mul3A_234, %add3A_235 : i32
      %mul3A_237 = arith.constant 16 : i32
      %mul3A_238 = arith.muli %add3A_236, %mul3A_237 : i32
      %swap3A_239 = arith.index_cast %select_n3A : i32 to index
      %swap3A_240 = arith.index_cast %mul3A_238 : i32 to index
      %swap3A_241 = tpu.vector_load %arg5[%swap3A_239, %swap3A_240] {strides = array<i32>} : memref<32x1024xf32, #tpu.memory_space<vmem>>, vector<1x16xf32>,
      %swap3A_242 = vector.shape_cast %swap3A_241 : vector<1x16xf32> to vector<16xf32>
      %swap3A_243 = vector.shape_cast %broadcast_in_dim3A_46 : vector<16xf32> to vector<1x16xf32>
      tpu.vector_store %arg5[%swap3A_239, %swap3A_240], %swap3A_243 {strides = array<i32>} : memref<32x1024xf32, #tpu.memory_space<vmem>>, vector<1x16xf32>,
      %mul3A_244 = arith.constant 16 : i32
      %mul3A_245 = arith.muli %select_n3A_211, %mul3A_244 : i32
      %add3A_246 = arith.constant 3 : i32
      %add3A_247 = arith.addi %mul3A_245, %add3A_246 : i32
      %mul3A_248 = arith.constant 16 : i32
      %mul3A_249 = arith.muli %add3A_247, %mul3A_248 : i32
      %swap3A_250 = arith.index_cast %select_n3A : i32 to index
      %swap3A_251 = arith.index_cast %mul3A_249 : i32 to index
      %swap3A_252 = tpu.vector_load %arg5[%swap3A_250, %swap3A_251] {strides = array<i32>} : memref<32x1024xf32, #tpu.memory_space<vmem>>, vector<1x16xf32>,
      %swap3A_253 = vector.shape_cast %swap3A_252 : vector<1x16xf32> to vector<16xf32>
      %swap3A_254 = vector.shape_cast %broadcast_in_dim3A_46 : vector<16xf32> to vector<1x16xf32>
      tpu.vector_store %arg5[%swap3A_250, %swap3A_251], %swap3A_254 {strides = array<i32>} : memref<32x1024xf32, #tpu.memory_space<vmem>>, vector<1x16xf32>,
      %mul3A_255 = arith.constant 16 : i32
      %mul3A_256 = arith.muli %select_n3A_211, %mul3A_255 : i32
      %add3A_257 = arith.constant 4 : i32
      %add3A_258 = arith.addi %mul3A_256, %add3A_257 : i32
      %mul3A_259 = arith.constant 16 : i32
      %mul3A_260 = arith.muli %add3A_258, %mul3A_259 : i32
      %swap3A_261 = arith.index_cast %select_n3A : i32 to index
      %swap3A_262 = arith.index_cast %mul3A_260 : i32 to index
      %swap3A_263 = tpu.vector_load %arg5[%swap3A_261, %swap3A_262] {strides = array<i32>} : memref<32x1024xf32, #tpu.memory_space<vmem>>, vector<1x16xf32>,
      %swap3A_264 = vector.shape_cast %swap3A_263 : vector<1x16xf32> to vector<16xf32>
      %swap3A_265 = vector.shape_cast %broadcast_in_dim3A_46 : vector<16xf32> to vector<1x16xf32>
      tpu.vector_store %arg5[%swap3A_261, %swap3A_262], %swap3A_265 {strides = array<i32>} : memref<32x1024xf32, #tpu.memory_space<vmem>>, vector<1x16xf32>,
      %mul3A_266 = arith.constant 16 : i32
      %mul3A_267 = arith.muli %select_n3A_211, %mul3A_266 : i32
      %add3A_268 = arith.constant 5 : i32
      %add3A_269 = arith.addi %mul3A_267, %add3A_268 : i32
      %mul3A_270 = arith.constant 16 : i32
      %mul3A_271 = arith.muli %add3A_269, %mul3A_270 : i32
      %swap3A_272 = arith.index_cast %select_n3A : i32 to index
      %swap3A_273 = arith.index_cast %mul3A_271 : i32 to index
      %swap3A_274 = tpu.vector_load %arg5[%swap3A_272, %swap3A_273] {strides = array<i32>} : memref<32x1024xf32, #tpu.memory_space<vmem>>, vector<1x16xf32>,
      %swap3A_275 = vector.shape_cast %swap3A_274 : vector<1x16xf32> to vector<16xf32>
      %swap3A_276 = vector.shape_cast %broadcast_in_dim3A_46 : vector<16xf32> to vector<1x16xf32>
      tpu.vector_store %arg5[%swap3A_272, %swap3A_273], %swap3A_276 {strides = array<i32>} : memref<32x1024xf32, #tpu.memory_space<vmem>>, vector<1x16xf32>,
      %mul3A_277 = arith.constant 16 : i32
      %mul3A_278 = arith.muli %select_n3A_211, %mul3A_277 : i32
      %add3A_279 = arith.constant 6 : i32
      %add3A_280 = arith.addi %mul3A_278, %add3A_279 : i32
      %mul3A_281 = arith.constant 16 : i32
      %mul3A_282 = arith.muli %add3A_280, %mul3A_281 : i32
      %swap3A_283 = arith.index_cast %select_n3A : i32 to index
      %swap3A_284 = arith.index_cast %mul3A_282 : i32 to index
      %swap3A_285 = tpu.vector_load %arg5[%swap3A_283, %swap3A_284] {strides = array<i32>} : memref<32x1024xf32, #tpu.memory_space<vmem>>, vector<1x16xf32>,
      %swap3A_286 = vector.shape_cast %swap3A_285 : vector<1x16xf32> to vector<16xf32>
      %swap3A_287 = vector.shape_cast %broadcast_in_dim3A_46 : vector<16xf32> to vector<1x16xf32>
      tpu.vector_store %arg5[%swap3A_283, %swap3A_284], %swap3A_287 {strides = array<i32>} : memref<32x1024xf32, #tpu.memory_space<vmem>>, vector<1x16xf32>,
      %mul3A_288 = arith.constant 16 : i32
      %mul3A_289 = arith.muli %select_n3A_211, %mul3A_288 : i32
      %add3A_290 = arith.constant 7 : i32
      %add3A_291 = arith.addi %mul3A_289, %add3A_290 : i32
      %mul3A_292 = arith.constant 16 : i32
      %mul3A_293 = arith.muli %add3A_291, %mul3A_292 : i32
      %swap3A_294 = arith.index_cast %select_n3A : i32 to index
      %swap3A_295 = arith.index_cast %mul3A_293 : i32 to index
      %swap3A_296 = tpu.vector_load %arg5[%swap3A_294, %swap3A_295] {strides = array<i32>} : memref<32x1024xf32, #tpu.memory_space<vmem>>, vector<1x16xf32>,
      %swap3A_297 = vector.shape_cast %swap3A_296 : vector<1x16xf32> to vector<16xf32>
      %swap3A_298 = vector.shape_cast %broadcast_in_dim3A_46 : vector<16xf32> to vector<1x16xf32>
      tpu.vector_store %arg5[%swap3A_294, %swap3A_295], %swap3A_298 {strides = array<i32>} : memref<32x1024xf32, #tpu.memory_space<vmem>>, vector<1x16xf32>,
      %mul3A_299 = arith.constant 16 : i32
      %mul3A_300 = arith.muli %select_n3A_211, %mul3A_299 : i32
      %add3A_301 = arith.constant 8 : i32
      %add3A_302 = arith.addi %mul3A_300, %add3A_301 : i32
      %mul3A_303 = arith.constant 16 : i32
      %mul3A_304 = arith.muli %add3A_302, %mul3A_303 : i32
      %swap3A_305 = arith.index_cast %select_n3A : i32 to index
      %swap3A_306 = arith.index_cast %mul3A_304 : i32 to index
      %swap3A_307 = tpu.vector_load %arg5[%swap3A_305, %swap3A_306] {strides = array<i32>} : memref<32x1024xf32, #tpu.memory_space<vmem>>, vector<1x16xf32>,
      %swap3A_308 = vector.shape_cast %swap3A_307 : vector<1x16xf32> to vector<16xf32>
      %swap3A_309 = vector.shape_cast %broadcast_in_dim3A_46 : vector<16xf32> to vector<1x16xf32>
      tpu.vector_store %arg5[%swap3A_305, %swap3A_306], %swap3A_309 {strides = array<i32>} : memref<32x1024xf32, #tpu.memory_space<vmem>>, vector<1x16xf32>,
      %mul3A_310 = arith.constant 16 : i32
      %mul3A_311 = arith.muli %select_n3A_211, %mul3A_310 : i32
      %add3A_312 = arith.constant 9 : i32
      %add3A_313 = arith.addi %mul3A_311, %add3A_312 : i32
      %mul3A_314 = arith.constant 16 : i32
      %mul3A_315 = arith.muli %add3A_313, %mul3A_314 : i32
      %swap3A_316 = arith.index_cast %select_n3A : i32 to index
      %swap3A_317 = arith.index_cast %mul3A_315 : i32 to index
      %swap3A_318 = tpu.vector_load %arg5[%swap3A_316, %swap3A_317] {strides = array<i32>} : memref<32x1024xf32, #tpu.memory_space<vmem>>, vector<1x16xf32>,
      %swap3A_319 = vector.shape_cast %swap3A_318 : vector<1x16xf32> to vector<16xf32>
      %swap3A_320 = vector.shape_cast %broadcast_in_dim3A_46 : vector<16xf32> to vector<1x16xf32>
      tpu.vector_store %arg5[%swap3A_316, %swap3A_317], %swap3A_320 {strides = array<i32>} : memref<32x1024xf32, #tpu.memory_space<vmem>>, vector<1x16xf32>,
      %mul3A_321 = arith.constant 16 : i32
      %mul3A_322 = arith.muli %select_n3A_211, %mul3A_321 : i32
      %add3A_323 = arith.constant 10 : i32
      %add3A_324 = arith.addi %mul3A_322, %add3A_323 : i32
      %mul3A_325 = arith.constant 16 : i32
      %mul3A_326 = arith.muli %add3A_324, %mul3A_325 : i32
      %swap3A_327 = arith.index_cast %select_n3A : i32 to index
      %swap3A_328 = arith.index_cast %mul3A_326 : i32 to index
      %swap3A_329 = tpu.vector_load %arg5[%swap3A_327, %swap3A_328] {strides = array<i32>} : memref<32x1024xf32, #tpu.memory_space<vmem>>, vector<1x16xf32>,
      %swap3A_330 = vector.shape_cast %swap3A_329 : vector<1x16xf32> to vector<16xf32>
      %swap3A_331 = vector.shape_cast %broadcast_in_dim3A_46 : vector<16xf32> to vector<1x16xf32>
      tpu.vector_store %arg5[%swap3A_327, %swap3A_328], %swap3A_331 {strides = array<i32>} : memref<32x1024xf32, #tpu.memory_space<vmem>>, vector<1x16xf32>,
      %mul3A_332 = arith.constant 16 : i32
      %mul3A_333 = arith.muli %select_n3A_211, %mul3A_332 : i32
      %add3A_334 = arith.constant 11 : i32
      %add3A_335 = arith.addi %mul3A_333, %add3A_334 : i32
      %mul3A_336 = arith.constant 16 : i32
      %mul3A_337 = arith.muli %add3A_335, %mul3A_336 : i32
      %swap3A_338 = arith.index_cast %select_n3A : i32 to index
      %swap3A_339 = arith.index_cast %mul3A_337 : i32 to index
      %swap3A_340 = tpu.vector_load %arg5[%swap3A_338, %swap3A_339] {strides = array<i32>} : memref<32x1024xf32, #tpu.memory_space<vmem>>, vector<1x16xf32>,
      %swap3A_341 = vector.shape_cast %swap3A_340 : vector<1x16xf32> to vector<16xf32>
      %swap3A_342 = vector.shape_cast %broadcast_in_dim3A_46 : vector<16xf32> to vector<1x16xf32>
      tpu.vector_store %arg5[%swap3A_338, %swap3A_339], %swap3A_342 {strides = array<i32>} : memref<32x1024xf32, #tpu.memory_space<vmem>>, vector<1x16xf32>,
      %mul3A_343 = arith.constant 16 : i32
      %mul3A_344 = arith.muli %select_n3A_211, %mul3A_343 : i32
      %add3A_345 = arith.constant 12 : i32
      %add3A_346 = arith.addi %mul3A_344, %add3A_345 : i32
      %mul3A_347 = arith.constant 16 : i32
      %mul3A_348 = arith.muli %add3A_346, %mul3A_347 : i32
      %swap3A_349 = arith.index_cast %select_n3A : i32 to index
      %swap3A_350 = arith.index_cast %mul3A_348 : i32 to index
      %swap3A_351 = tpu.vector_load %arg5[%swap3A_349, %swap3A_350] {strides = array<i32>} : memref<32x1024xf32, #tpu.memory_space<vmem>>, vector<1x16xf32>,
      %swap3A_352 = vector.shape_cast %swap3A_351 : vector<1x16xf32> to vector<16xf32>
      %swap3A_353 = vector.shape_cast %broadcast_in_dim3A_46 : vector<16xf32> to vector<1x16xf32>
      tpu.vector_store %arg5[%swap3A_349, %swap3A_350], %swap3A_353 {strides = array<i32>} : memref<32x1024xf32, #tpu.memory_space<vmem>>, vector<1x16xf32>,
      %mul3A_354 = arith.constant 16 : i32
      %mul3A_355 = arith.muli %select_n3A_211, %mul3A_354 : i32
      %add3A_356 = arith.constant 13 : i32
      %add3A_357 = arith.addi %mul3A_355, %add3A_356 : i32
      %mul3A_358 = arith.constant 16 : i32
      %mul3A_359 = arith.muli %add3A_357, %mul3A_358 : i32
      %swap3A_360 = arith.index_cast %select_n3A : i32 to index
      %swap3A_361 = arith.index_cast %mul3A_359 : i32 to index
      %swap3A_362 = tpu.vector_load %arg5[%swap3A_360, %swap3A_361] {strides = array<i32>} : memref<32x1024xf32, #tpu.memory_space<vmem>>, vector<1x16xf32>,
      %swap3A_363 = vector.shape_cast %swap3A_362 : vector<1x16xf32> to vector<16xf32>
      %swap3A_364 = vector.shape_cast %broadcast_in_dim3A_46 : vector<16xf32> to vector<1x16xf32>
      tpu.vector_store %arg5[%swap3A_360, %swap3A_361], %swap3A_364 {strides = array<i32>} : memref<32x1024xf32, #tpu.memory_space<vmem>>, vector<1x16xf32>,
      %mul3A_365 = arith.constant 16 : i32
      %mul3A_366 = arith.muli %select_n3A_211, %mul3A_365 : i32
      %add3A_367 = arith.constant 14 : i32
      %add3A_368 = arith.addi %mul3A_366, %add3A_367 : i32
      %mul3A_369 = arith.constant 16 : i32
      %mul3A_370 = arith.muli %add3A_368, %mul3A_369 : i32
      %swap3A_371 = arith.index_cast %select_n3A : i32 to index
      %swap3A_372 = arith.index_cast %mul3A_370 : i32 to index
      %swap3A_373 = tpu.vector_load %arg5[%swap3A_371, %swap3A_372] {strides = array<i32>} : memref<32x1024xf32, #tpu.memory_space<vmem>>, vector<1x16xf32>,
      %swap3A_374 = vector.shape_cast %swap3A_373 : vector<1x16xf32> to vector<16xf32>
      %swap3A_375 = vector.shape_cast %broadcast_in_dim3A_46 : vector<16xf32> to vector<1x16xf32>
      tpu.vector_store %arg5[%swap3A_371, %swap3A_372], %swap3A_375 {strides = array<i32>} : memref<32x1024xf32, #tpu.memory_space<vmem>>, vector<1x16xf32>,
      %mul3A_376 = arith.constant 16 : i32
      %mul3A_377 = arith.muli %select_n3A_211, %mul3A_376 : i32
      %add3A_378 = arith.constant 15 : i32
      %add3A_379 = arith.addi %mul3A_377, %add3A_378 : i32
      %mul3A_380 = arith.constant 16 : i32
      %mul3A_381 = arith.muli %add3A_379, %mul3A_380 : i32
      %swap3A_382 = arith.index_cast %select_n3A : i32 to index
      %swap3A_383 = arith.index_cast %mul3A_381 : i32 to index
      %swap3A_384 = tpu.vector_load %arg5[%swap3A_382, %swap3A_383] {strides = array<i32>} : memref<32x1024xf32, #tpu.memory_space<vmem>>, vector<1x16xf32>,
      %swap3A_385 = vector.shape_cast %swap3A_384 : vector<1x16xf32> to vector<16xf32>
      %swap3A_386 = vector.shape_cast %broadcast_in_dim3A_46 : vector<16xf32> to vector<1x16xf32>
      tpu.vector_store %arg5[%swap3A_382, %swap3A_383], %swap3A_386 {strides = array<i32>} : memref<32x1024xf32, #tpu.memory_space<vmem>>, vector<1x16xf32>,
    }
    %scan3A_51 = arith.constant 128 : i32
    %scan3A_52 = arith.constant 0 : i32
    %scan3A_53 = arith.constant 0 : i32
    %scan3A_54 = arith.constant 15 : i32
    %scan3A_55 = arith.addi %scan3A_53, %scan3A_54 : i32
    %scan3A_56 = arith.constant 1 : i32
    scf.for %scan3A_179 = %scan3A_53 to %scan3A_55 step %scan3A_56  : i32 {
      %mul3A_180 = arith.constant 4 : i32
      %mul3A_181 = arith.muli %scan3A_179, %mul3A_180 : i32
      %add3A_182 = arith.addi %min3A_3, %mul3A_181 : i32
      %sub3A_183 = arith.constant 4 : i32
      %sub3A_184 = arith.subi %min3A_7, %sub3A_183 : i32
      %min3A_185 = arith.minsi %add3A_182, %sub3A_184 : i32
      %max3A_186 = arith.constant 0 : i32
      %max3A_187 = arith.maxsi %max3A_186, %min3A_185 : i32
      %mul3A_188 = arith.constant 8 : i32
      %mul3A_189 = arith.muli %max3A_187, %mul3A_188 : i32
      %multiple_of3A_190 = tpu.assume_multiple %mul3A_189, 8 : i32
      %dma_start3A_191 = arith.constant 0 : i32
      %dma_start3A_192 = tpu.memref_slice %arg3[%multiple_of3A_190, %dma_start3A_191] : memref<16384x1024xf32, #tpu.memory_space<hbm>> -> memref<32x1024xf32, #tpu.memory_space<hbm>>
      %dma_start3A_193 = arith.constant 0 : i32
      %dma_start3A_194 = tpu.memref_slice %arg3[%multiple_of3A_190, %dma_start3A_193] : memref<16384x1024xf32, #tpu.memory_space<hbm>> -> memref<32x1024xf32, #tpu.memory_space<hbm>>
      tpu.enqueue_dma source(%arg5 : memref<32x1024xf32, #tpu.memory_space<vmem>>) target(%dma_start3A_194 : memref<32x1024xf32, #tpu.memory_space<hbm>>) target_semaphore(%arg10 : memref<!tpu.dma_semaphore, #tpu.memory_space<semaphore_mem>>)
    }
    %scan3A_57 = arith.constant 15 : i32
    %eq3A_58 = arith.constant 0 : i32
    %eq3A_59 = arith.cmpi eq, %add3A, %eq3A_58 : i32
    %convert_element_type3A_60 = arith.extui %eq3A_59 : i1 to i32
    %cond3A_61 = arith.constant 0 : i32
    %cond3A_62 = arith.cmpi ne, %convert_element_type3A_60, %cond3A_61 : i32
    scf.if %cond3A_62 {
      %broadcast_in_dim3A_179 = arith.constant 14745 : i32
      %broadcast_in_dim3A_180 = vector.broadcast %broadcast_in_dim3A_179 : i32 to vector<16xi32>
      %swap3A = arith.constant 0 : index
      %swap3A_181 = tpu.vector_load %arg9[%swap3A] {strides = array<i32>} : memref<16xi32, #tpu.memory_space<vmem>>, vector<16xi32>,
      %swap3A_182 = vector.shape_cast %swap3A_181 : vector<16xi32> to vector<16xi32>
      %swap3A_183 = vector.shape_cast %broadcast_in_dim3A_180 : vector<16xi32> to vector<16xi32>
      tpu.vector_store %arg9[%swap3A], %swap3A_183 {strides = array<i32>} : memref<16xi32, #tpu.memory_space<vmem>>, vector<16xi32>,
      tpu.enqueue_dma source(%arg9 : memref<16xi32, #tpu.memory_space<vmem>>) target(%arg4 : memref<16xi32, #tpu.memory_space<hbm>>) target_semaphore(%arg10 : memref<!tpu.dma_semaphore, #tpu.memory_space<semaphore_mem>>)
    } else {
    }
    %eq3A_63 = arith.constant 31 : i32
    %eq3A_64 = arith.cmpi eq, %add3A, %eq3A_63 : i32
    %convert_element_type3A_65 = arith.extui %eq3A_64 : i1 to i32
    %cond3A_66 = arith.constant 0 : i32
    %cond3A_67 = arith.cmpi ne, %convert_element_type3A_65, %cond3A_66 : i32
    scf.if %cond3A_67 {
      %dma_wait3A_179 = arith.constant 14744 : i32
      %dma_wait3A_180 = arith.constant 0 : i32
      %dma_wait3A_181 = tpu.memref_slice %arg2[%dma_wait3A_179, %dma_wait3A_180] : memref<16384x1024xf32, #tpu.memory_space<hbm>> -> memref<8x1024xf32, #tpu.memory_space<hbm>>
      %dma_wait3A_182 = arith.constant 14744 : i32
      %dma_wait3A_183 = arith.constant 0 : i32
      %dma_wait3A_184 = tpu.memref_slice %arg2[%dma_wait3A_182, %dma_wait3A_183] : memref<16384x1024xf32, #tpu.memory_space<hbm>> -> memref<8x1024xf32, #tpu.memory_space<hbm>>
      tpu.wait_dma2 semaphore(%arg11 : memref<!tpu.dma_semaphore, #tpu.memory_space<semaphore_mem>>) src(%dma_wait3A_184 : memref<8x1024xf32, #tpu.memory_space<hbm>>) dst(%arg8 : memref<8x1024xf32, #tpu.memory_space<vmem>>)
      %broadcast_in_dim3A_185 = arith.constant 0.000000e+00 : f32
      %broadcast_in_dim3A_186 = vector.broadcast %broadcast_in_dim3A_185 : f32 to vector<16xf32>
      %scan3A_187 = arith.constant 0 : i32
      %scan3A_188 = arith.constant 0 : i32
      %scan3A_189 = arith.constant 64 : i32
      %scan3A_190 = arith.addi %scan3A_188, %scan3A_189 : i32
      %scan3A_191 = arith.constant 1 : i32
      scf.for %scan3A_199 = %scan3A_188 to %scan3A_190 step %scan3A_191  : i32 {
        %jit3A = arith.constant 64 : i32
        %div3A = arith.divsi %scan3A_199, %jit3A : i32
        %sign3A = arith.constant 0 : i32
        %sign3A_200 = arith.cmpi sgt, %scan3A_199, %sign3A : i32
        %sign3A_201 = arith.extui %sign3A_200 : i1 to i32
        %sign3A_202 = arith.constant 0 : i32
        %sign3A_203 = arith.cmpi slt, %scan3A_199, %sign3A_202 : i32
        %sign3A_204 = arith.extui %sign3A_203 : i1 to i32
        %sign3A_205 = arith.subi %sign3A_201, %sign3A_204 : i32
        %sign3A_206 = arith.constant 0 : i32
        %sign3A_207 = arith.cmpi sgt, %jit3A, %sign3A_206 : i32
        %sign3A_208 = arith.extui %sign3A_207 : i1 to i32
        %sign3A_209 = arith.constant 0 : i32
        %sign3A_210 = arith.cmpi slt, %jit3A, %sign3A_209 : i32
        %sign3A_211 = arith.extui %sign3A_210 : i1 to i32
        %sign3A_212 = arith.subi %sign3A_208, %sign3A_211 : i32
        %ne3A = arith.cmpi ne, %sign3A_205, %sign3A_212 : i32
        %rem3A = arith.remsi %scan3A_199, %jit3A : i32
        %ne3A_213 = arith.constant 0 : i32
        %ne3A_214 = arith.cmpi ne, %rem3A, %ne3A_213 : i32
        %and3A = arith.andi %ne3A, %ne3A_214 : i1
        %sub3A_215 = arith.constant 1 : i32
        %sub3A_216 = arith.subi %div3A, %sub3A_215 : i32
        %select_n3A = arith.select %and3A, %sub3A_216, %div3A : i32
        %jit3A_217 = arith.constant 64 : i32
        %eq3A_218 = arith.constant 0 : i32
        %eq3A_219 = arith.cmpi eq, %jit3A_217, %eq3A_218 : i32
        %jit3A_220 = arith.constant 1 : i32
        %select_n3A_221 = arith.select %eq3A_219, %jit3A_220, %jit3A_217 : i32
        %rem3A_222 = arith.remsi %scan3A_199, %select_n3A_221 : i32
        %ne3A_223 = arith.constant 0 : i32
        %ne3A_224 = arith.cmpi ne, %rem3A_222, %ne3A_223 : i32
        %lt3A = arith.constant 0 : i32
        %lt3A_225 = arith.cmpi slt, %rem3A_222, %lt3A : i32
        %lt3A_226 = arith.constant 0 : i32
        %lt3A_227 = arith.cmpi slt, %select_n3A_221, %lt3A_226 : i32
        %ne3A_228 = arith.xori %lt3A_225, %lt3A_227 : i1
        %and3A_229 = arith.andi %ne3A_228, %ne3A_224 : i1
        %add3A_230 = arith.addi %rem3A_222, %select_n3A_221 : i32
        %select_n3A_231 = arith.select %and3A_229, %add3A_230, %rem3A_222 : i32
        %mul3A_232 = arith.constant 16 : i32
        %mul3A_233 = arith.muli %select_n3A_231, %mul3A_232 : i32
        %swap3A = arith.index_cast %select_n3A : i32 to index
        %swap3A_234 = arith.index_cast %mul3A_233 : i32 to index
        %swap3A_235 = tpu.vector_load %arg8[%swap3A, %swap3A_234] {strides = array<i32>} : memref<8x1024xf32, #tpu.memory_space<vmem>>, vector<1x16xf32>,
        %swap3A_236 = vector.shape_cast %swap3A_235 : vector<1x16xf32> to vector<16xf32>
        %swap3A_237 = vector.shape_cast %broadcast_in_dim3A_186 : vector<16xf32> to vector<1x16xf32>
        tpu.vector_store %arg8[%swap3A, %swap3A_234], %swap3A_237 {strides = array<i32>} : memref<8x1024xf32, #tpu.memory_space<vmem>>, vector<1x16xf32>,
      }
      %scan3A_192 = arith.constant 64 : i32
      %dma_start3A_193 = arith.constant 14744 : i32
      %dma_start3A_194 = arith.constant 0 : i32
      %dma_start3A_195 = tpu.memref_slice %arg3[%dma_start3A_193, %dma_start3A_194] : memref<16384x1024xf32, #tpu.memory_space<hbm>> -> memref<8x1024xf32, #tpu.memory_space<hbm>>
      %dma_start3A_196 = arith.constant 14744 : i32
      %dma_start3A_197 = arith.constant 0 : i32
      %dma_start3A_198 = tpu.memref_slice %arg3[%dma_start3A_196, %dma_start3A_197] : memref<16384x1024xf32, #tpu.memory_space<hbm>> -> memref<8x1024xf32, #tpu.memory_space<hbm>>
      tpu.enqueue_dma source(%arg8 : memref<8x1024xf32, #tpu.memory_space<vmem>>) target(%dma_start3A_198 : memref<8x1024xf32, #tpu.memory_space<hbm>>) target_semaphore(%arg10 : memref<!tpu.dma_semaphore, #tpu.memory_space<semaphore_mem>>)
    } else {
    }
    %add3A_68 = arith.constant 0 : i32
    %add3A_69 = arith.addi %min3A_11, %add3A_68 : i32
    %sub3A_70 = arith.constant 4 : i32
    %sub3A_71 = arith.subi %min3A_15, %sub3A_70 : i32
    %min3A_72 = arith.minsi %add3A_69, %sub3A_71 : i32
    %max3A_73 = arith.constant 0 : i32
    %max3A_74 = arith.maxsi %max3A_73, %min3A_72 : i32
    %add3A_75 = arith.constant 1844 : i32
    %add3A_76 = arith.addi %add3A_75, %max3A_74 : i32
    %mul3A_77 = arith.constant 8 : i32
    %mul3A_78 = arith.muli %add3A_76, %mul3A_77 : i32
    %multiple_of3A_79 = tpu.assume_multiple %mul3A_78, 8 : i32
    %dma_wait3A = arith.constant 0 : i32
    %dma_wait3A_80 = tpu.memref_slice %arg2[%multiple_of3A_79, %dma_wait3A] : memref<16384x1024xf32, #tpu.memory_space<hbm>> -> memref<32x1024xf32, #tpu.memory_space<hbm>>
    %dma_wait3A_81 = arith.constant 0 : i32
    %dma_wait3A_82 = tpu.memref_slice %arg2[%multiple_of3A_79, %dma_wait3A_81] : memref<16384x1024xf32, #tpu.memory_space<hbm>> -> memref<32x1024xf32, #tpu.memory_space<hbm>>
    tpu.wait_dma2 semaphore(%arg12 : memref<!tpu.dma_semaphore, #tpu.memory_space<semaphore_mem>>) src(%dma_wait3A_82 : memref<32x1024xf32, #tpu.memory_space<hbm>>) dst(%arg6 : memref<32x1024xf32, #tpu.memory_space<vmem>>)
    %add3A_83 = arith.constant 0 : i32
    %add3A_84 = arith.addi %min3A_11, %add3A_83 : i32
    %sub3A_85 = arith.constant 4 : i32
    %sub3A_86 = arith.subi %min3A_15, %sub3A_85 : i32
    %min3A_87 = arith.minsi %add3A_84, %sub3A_86 : i32
    %max3A_88 = arith.constant 0 : i32
    %max3A_89 = arith.maxsi %max3A_88, %min3A_87 : i32
    %add3A_90 = arith.constant 1844 : i32
    %add3A_91 = arith.addi %add3A_90, %max3A_89 : i32
    %mul3A_92 = arith.constant 8 : i32
    %mul3A_93 = arith.muli %add3A_91, %mul3A_92 : i32
    %multiple_of3A_94 = tpu.assume_multiple %mul3A_93, 8 : i32
    %dma_start3A_95 = arith.constant 0 : i32
    %dma_start3A_96 = tpu.memref_slice %arg3[%multiple_of3A_94, %dma_start3A_95] : memref<16384x1024xf32, #tpu.memory_space<hbm>> -> memref<32x1024xf32, #tpu.memory_space<hbm>>
    %dma_start3A_97 = arith.constant 0 : i32
    %dma_start3A_98 = tpu.memref_slice %arg3[%multiple_of3A_94, %dma_start3A_97] : memref<16384x1024xf32, #tpu.memory_space<hbm>> -> memref<32x1024xf32, #tpu.memory_space<hbm>>
    tpu.enqueue_dma source(%arg6 : memref<32x1024xf32, #tpu.memory_space<vmem>>) target(%dma_start3A_98 : memref<32x1024xf32, #tpu.memory_space<hbm>>) target_semaphore(%arg10 : memref<!tpu.dma_semaphore, #tpu.memory_space<semaphore_mem>>)
    %add3A_99 = arith.constant 4 : i32
    %add3A_100 = arith.addi %min3A_11, %add3A_99 : i32
    %sub3A_101 = arith.constant 4 : i32
    %sub3A_102 = arith.subi %min3A_15, %sub3A_101 : i32
    %min3A_103 = arith.minsi %add3A_100, %sub3A_102 : i32
    %max3A_104 = arith.constant 0 : i32
    %max3A_105 = arith.maxsi %max3A_104, %min3A_103 : i32
    %add3A_106 = arith.constant 1844 : i32
    %add3A_107 = arith.addi %add3A_106, %max3A_105 : i32
    %mul3A_108 = arith.constant 8 : i32
    %mul3A_109 = arith.muli %add3A_107, %mul3A_108 : i32
    %multiple_of3A_110 = tpu.assume_multiple %mul3A_109, 8 : i32
    %dma_wait3A_111 = arith.constant 0 : i32
    %dma_wait3A_112 = tpu.memref_slice %arg2[%multiple_of3A_110, %dma_wait3A_111] : memref<16384x1024xf32, #tpu.memory_space<hbm>> -> memref<32x1024xf32, #tpu.memory_space<hbm>>
    %dma_wait3A_113 = arith.constant 0 : i32
    %dma_wait3A_114 = tpu.memref_slice %arg2[%multiple_of3A_110, %dma_wait3A_113] : memref<16384x1024xf32, #tpu.memory_space<hbm>> -> memref<32x1024xf32, #tpu.memory_space<hbm>>
    tpu.wait_dma2 semaphore(%arg13 : memref<!tpu.dma_semaphore, #tpu.memory_space<semaphore_mem>>) src(%dma_wait3A_114 : memref<32x1024xf32, #tpu.memory_space<hbm>>) dst(%arg7 : memref<32x1024xf32, #tpu.memory_space<vmem>>)
    %add3A_115 = arith.constant 4 : i32
    %add3A_116 = arith.addi %min3A_11, %add3A_115 : i32
    %sub3A_117 = arith.constant 4 : i32
    %sub3A_118 = arith.subi %min3A_15, %sub3A_117 : i32
    %min3A_119 = arith.minsi %add3A_116, %sub3A_118 : i32
    %max3A_120 = arith.constant 0 : i32
    %max3A_121 = arith.maxsi %max3A_120, %min3A_119 : i32
    %add3A_122 = arith.constant 1844 : i32
    %add3A_123 = arith.addi %add3A_122, %max3A_121 : i32
    %mul3A_124 = arith.constant 8 : i32
    %mul3A_125 = arith.muli %add3A_123, %mul3A_124 : i32
    %multiple_of3A_126 = tpu.assume_multiple %mul3A_125, 8 : i32
    %dma_start3A_127 = arith.constant 0 : i32
    %dma_start3A_128 = tpu.memref_slice %arg3[%multiple_of3A_126, %dma_start3A_127] : memref<16384x1024xf32, #tpu.memory_space<hbm>> -> memref<32x1024xf32, #tpu.memory_space<hbm>>
    %dma_start3A_129 = arith.constant 0 : i32
    %dma_start3A_130 = tpu.memref_slice %arg3[%multiple_of3A_126, %dma_start3A_129] : memref<16384x1024xf32, #tpu.memory_space<hbm>> -> memref<32x1024xf32, #tpu.memory_space<hbm>>
    tpu.enqueue_dma source(%arg7 : memref<32x1024xf32, #tpu.memory_space<vmem>>) target(%dma_start3A_130 : memref<32x1024xf32, #tpu.memory_space<hbm>>) target_semaphore(%arg10 : memref<!tpu.dma_semaphore, #tpu.memory_space<semaphore_mem>>)
    %scan3A_131 = arith.constant 0 : i32
    %scan3A_132 = arith.constant 0 : i32
    %scan3A_133 = arith.constant 15 : i32
    %scan3A_134 = arith.addi %scan3A_132, %scan3A_133 : i32
    %scan3A_135 = arith.constant 1 : i32
    scf.for %scan3A_179 = %scan3A_132 to %scan3A_134 step %scan3A_135  : i32 {
      %mul3A_180 = arith.constant 4 : i32
      %mul3A_181 = arith.muli %scan3A_179, %mul3A_180 : i32
      %add3A_182 = arith.addi %min3A_3, %mul3A_181 : i32
      %sub3A_183 = arith.constant 4 : i32
      %sub3A_184 = arith.subi %min3A_7, %sub3A_183 : i32
      %min3A_185 = arith.minsi %add3A_182, %sub3A_184 : i32
      %max3A_186 = arith.constant 0 : i32
      %max3A_187 = arith.maxsi %max3A_186, %min3A_185 : i32
      %mul3A_188 = arith.constant 8 : i32
      %mul3A_189 = arith.muli %max3A_187, %mul3A_188 : i32
      %multiple_of3A_190 = tpu.assume_multiple %mul3A_189, 8 : i32
      %dma_wait3A_191 = arith.constant 0 : i32
      %dma_wait3A_192 = tpu.memref_slice %arg3[%multiple_of3A_190, %dma_wait3A_191] : memref<16384x1024xf32, #tpu.memory_space<hbm>> -> memref<32x1024xf32, #tpu.memory_space<hbm>>
      %dma_wait3A_193 = arith.constant 0 : i32
      %dma_wait3A_194 = tpu.memref_slice %arg3[%multiple_of3A_190, %dma_wait3A_193] : memref<16384x1024xf32, #tpu.memory_space<hbm>> -> memref<32x1024xf32, #tpu.memory_space<hbm>>
      tpu.wait_dma2 semaphore(%arg10 : memref<!tpu.dma_semaphore, #tpu.memory_space<semaphore_mem>>) src(%arg5 : memref<32x1024xf32, #tpu.memory_space<vmem>>) dst(%dma_wait3A_194 : memref<32x1024xf32, #tpu.memory_space<hbm>>)
    }
    %scan3A_136 = arith.constant 15 : i32
    %add3A_137 = arith.constant 0 : i32
    %add3A_138 = arith.addi %min3A_11, %add3A_137 : i32
    %sub3A_139 = arith.constant 4 : i32
    %sub3A_140 = arith.subi %min3A_15, %sub3A_139 : i32
    %min3A_141 = arith.minsi %add3A_138, %sub3A_140 : i32
    %max3A_142 = arith.constant 0 : i32
    %max3A_143 = arith.maxsi %max3A_142, %min3A_141 : i32
    %add3A_144 = arith.constant 1844 : i32
    %add3A_145 = arith.addi %add3A_144, %max3A_143 : i32
    %mul3A_146 = arith.constant 8 : i32
    %mul3A_147 = arith.muli %add3A_145, %mul3A_146 : i32
    %multiple_of3A_148 = tpu.assume_multiple %mul3A_147, 8 : i32
    %dma_wait3A_149 = arith.constant 0 : i32
    %dma_wait3A_150 = tpu.memref_slice %arg3[%multiple_of3A_148, %dma_wait3A_149] : memref<16384x1024xf32, #tpu.memory_space<hbm>> -> memref<32x1024xf32, #tpu.memory_space<hbm>>
    %dma_wait3A_151 = arith.constant 0 : i32
    %dma_wait3A_152 = tpu.memref_slice %arg3[%multiple_of3A_148, %dma_wait3A_151] : memref<16384x1024xf32, #tpu.memory_space<hbm>> -> memref<32x1024xf32, #tpu.memory_space<hbm>>
    tpu.wait_dma2 semaphore(%arg10 : memref<!tpu.dma_semaphore, #tpu.memory_space<semaphore_mem>>) src(%arg6 : memref<32x1024xf32, #tpu.memory_space<vmem>>) dst(%dma_wait3A_152 : memref<32x1024xf32, #tpu.memory_space<hbm>>)
    %add3A_153 = arith.constant 4 : i32
    %add3A_154 = arith.addi %min3A_11, %add3A_153 : i32
    %sub3A_155 = arith.constant 4 : i32
    %sub3A_156 = arith.subi %min3A_15, %sub3A_155 : i32
    %min3A_157 = arith.minsi %add3A_154, %sub3A_156 : i32
    %max3A_158 = arith.constant 0 : i32
    %max3A_159 = arith.maxsi %max3A_158, %min3A_157 : i32
    %add3A_160 = arith.constant 1844 : i32
    %add3A_161 = arith.addi %add3A_160, %max3A_159 : i32
    %mul3A_162 = arith.constant 8 : i32
    %mul3A_163 = arith.muli %add3A_161, %mul3A_162 : i32
    %multiple_of3A_164 = tpu.assume_multiple %mul3A_163, 8 : i32
    %dma_wait3A_165 = arith.constant 0 : i32
    %dma_wait3A_166 = tpu.memref_slice %arg3[%multiple_of3A_164, %dma_wait3A_165] : memref<16384x1024xf32, #tpu.memory_space<hbm>> -> memref<32x1024xf32, #tpu.memory_space<hbm>>
    %dma_wait3A_167 = arith.constant 0 : i32
    %dma_wait3A_168 = tpu.memref_slice %arg3[%multiple_of3A_164, %dma_wait3A_167] : memref<16384x1024xf32, #tpu.memory_space<hbm>> -> memref<32x1024xf32, #tpu.memory_space<hbm>>
    tpu.wait_dma2 semaphore(%arg10 : memref<!tpu.dma_semaphore, #tpu.memory_space<semaphore_mem>>) src(%arg7 : memref<32x1024xf32, #tpu.memory_space<vmem>>) dst(%dma_wait3A_168 : memref<32x1024xf32, #tpu.memory_space<hbm>>)
    %eq3A_169 = arith.constant 31 : i32
    %eq3A_170 = arith.cmpi eq, %add3A, %eq3A_169 : i32
    %convert_element_type3A_171 = arith.extui %eq3A_170 : i1 to i32
    %cond3A_172 = arith.constant 0 : i32
    %cond3A_173 = arith.cmpi ne, %convert_element_type3A_171, %cond3A_172 : i32
    scf.if %cond3A_173 {
      %dma_wait3A_179 = arith.constant 14744 : i32
      %dma_wait3A_180 = arith.constant 0 : i32
      %dma_wait3A_181 = tpu.memref_slice %arg3[%dma_wait3A_179, %dma_wait3A_180] : memref<16384x1024xf32, #tpu.memory_space<hbm>> -> memref<8x1024xf32, #tpu.memory_space<hbm>>
      %dma_wait3A_182 = arith.constant 14744 : i32
      %dma_wait3A_183 = arith.constant 0 : i32
      %dma_wait3A_184 = tpu.memref_slice %arg3[%dma_wait3A_182, %dma_wait3A_183] : memref<16384x1024xf32, #tpu.memory_space<hbm>> -> memref<8x1024xf32, #tpu.memory_space<hbm>>
      tpu.wait_dma2 semaphore(%arg10 : memref<!tpu.dma_semaphore, #tpu.memory_space<semaphore_mem>>) src(%arg8 : memref<8x1024xf32, #tpu.memory_space<vmem>>) dst(%dma_wait3A_184 : memref<8x1024xf32, #tpu.memory_space<hbm>>)
    } else {
    }
    %eq3A_174 = arith.constant 0 : i32
    %eq3A_175 = arith.cmpi eq, %add3A, %eq3A_174 : i32
    %convert_element_type3A_176 = arith.extui %eq3A_175 : i1 to i32
    %cond3A_177 = arith.constant 0 : i32
    %cond3A_178 = arith.cmpi ne, %convert_element_type3A_176, %cond3A_177 : i32
    scf.if %cond3A_178 {
      tpu.wait_dma2 semaphore(%arg10 : memref<!tpu.dma_semaphore, #tpu.memory_space<semaphore_mem>>) src(%arg9 : memref<16xi32, #tpu.memory_space<vmem>>) dst(%arg4 : memref<16xi32, #tpu.memory_space<hbm>>)
    } else {
    }
    return
  }
}

</mosaic_0001>

<sc_bundles>
// kernel: kernel.3.cloned.1.call-start
scs
__scs_entry_jumppad:
0x0: {  	(pc) =	sbr.rel $0x88, $3  }
0x1: {  	(tag) =	ssettag $0x0;
	lr =	simm.s32 $0x1  }
0x2: {  	[smem:$0x3FA0] =	sst lr;
	_ =	strace $0xD0000000  }
0x3: {  	_ = 	snop  }
0x4: {  	_ = 	snop  }
0x5: {  	_ = 	snop  }
0x6: {  	_ = 	snop  }
0x7: {  	_ = 	snop  }
__scs_overlays_trampoline_lowered:
0x8: {  	[smem:$0x3FAF] =	sst s0  }
0x9: {  	[smem:$0x3FB0] =	sst s1  }
0xa: {  	[smem:$0x3FB1] =	sst s2  }
0xb: {  	[smem:$0x3FB2] =	sst s3  }
0xc: {  	[smem:$0x3FB3] =	sst s4  }
0xd: {  	[smem:$0x3FB4] =	sst s5  }
0xe: {  	[smem:$0x3FB5] =	sst s6  }
0xf: {  	[smem:$0x3FB6] =	sst s7  }
0x10: {  	[smem:$0x3FB7] =	sst s8  }
0x11: {  	[smem:$0x3FB8] =	sst s9;
	s0 =	simm.s32 @!p0 $0x0  }
0x12: {  	s1 =	sld [smem:$0x3F9E];
	s0 =	simm.s32 @p0 $0x1  }
0x13: {  	[smem:$0x3FB9] =	sst s0;
	s0 =	simm.s32 @!p1 $0x0  }
0x14: {  	s2 =	sld [smem:$0x3F9D];
	s0 =	simm.s32 @p1 $0x1  }
0x15: {  	[smem:$0x3FBA] =	sst s0;
	s0 =	simm.s32 @!p2 $0x0  }
0x16: {  	s3 =	sld [smem:$0x3FDB];
	s0 =	simm.s32 @p2 $0x1  }
0x17: {  	s4 =	simm.s32 $0x1BF5;
	[smem:$0x3FBC] =	sst s0  }
0x18: {  	s0 =	sld [smem:$0x3F9F];
	_ =	swait.ge [sflag:s4], $0x0  }
0x19: {  	s7 =	sld [smem:$0x3FA0]  }
0x1a: {  	s8 =	sadd.s32 $0xFFFFE003, lr  }
0x1b: {  	s9 =	sadd.s32 $0xFFFFFEF7, lr;
	s5 =	simm.s32 $0xFFFFFFFF;
	p2 =	slt.u32 s8, $0xFFFFF086  }
0x1c: {  	p1 =	slt.u32 s9, $0xF7A;
	s5 =	simm.s32 @!p2 $0x0  }
0x1d: {  	s5 =	simm.s32 @p1 $0x1;
	p0 =	seq.s32 s7, s2  }
0x1e: {  	s7 =	smul.u32 @!p0 $0xF7A, s2;
	p2 =	seq.s32 @!p0 s5, $0x0  }
0x1f: {  	s9 =	smul.u32 $0xF7A, s1;
	s8 =	simm.s32 @!p0 $0x1BF5;
	p2 =	por !p2, p0  }
0x20: {  	[sflag:s8] =	ssyncset.s32 @!p0 $0xFFFFF086;
	s6 =	sadd.s32 @!p0 s3, s7;
	s7 =	simm.s32 @!p0 $0x108  }
0x21: {  	s3 =	sadd.s32 s3, s9;
	s6 =	sadd.s32 @!p0 $0x88, s6;
	s7 =	simm.s32 @p2 $0x1082  }
0x22: {  	[simem:s7], [sflag:s8] =	dma.local @!p0 [hbm:s6], $0xF7A  }
0x23: {  	s9 =	sor.u32 $0xD0000000, s2;
	s6 =	simm.s32 $0x108;
	_ =	swait.ge @!p0 [sflag:s8], $0x0  }
0x24: {  	s3 =	sadd.s32 $0x88, s3;
	s6 =	simm.s32 @!p1 $0x1082;
	[sflag:s4] =	ssyncset.s32 $0xFFFFF086  }
0x25: {  	[simem:s6], [sflag:s4] =	dma.local [hbm:s3], $0xF7A  }
0x26: {  	[smem:$0x3FA0] =	sst s1;
	(tag) =	ssettag s2;
	_ =	strace s9  }
0x27: {  	s1 =	sld [smem:$0x3FB0]  }
0x28: {  	s2 =	sld [smem:$0x3FB1]  }
0x29: {  	s4 =	sld [smem:$0x3FB3]  }
0x2a: {  	p0 =	seq.s32 s5, $0x0;
	s5 =	sld [smem:$0x3FB4]  }
0x2b: {  	s6 =	sld [smem:$0x3FB5]  }
0x2c: {  	s7 =	sld [smem:$0x3FB6]  }
0x2d: {  	s3 =	simm.s32 $0x108;
	s8 =	sld [smem:$0x3FB7]  }
0x2e: {  	s3 =	simm.s32 @!p0 $0x1082;
	s9 =	sld [smem:$0x3FB8]  }
0x2f: {  	lr =	sadd.s32 s0, s3;
	s0 =	sld [smem:$0x3FAF]  }
0x30: {  	s3 =	sld [smem:$0x3FB2]  }
0x31: {  	[smem:$0x3FBB] =	sst s10  }
0x32: {  	s10 =	sld [smem:$0x3FB9];
	_ =	sdelay $0x3  }
0x33: {  	p0 =	seq.s32 s10, $0x1;
	s10 =	sld [smem:$0x3FBB];
	_ =	sdelay $0x3  }
0x34: {  	[smem:$0x3FBB] =	sst s10  }
0x35: {  	s10 =	sld [smem:$0x3FBA];
	_ =	sdelay $0x3  }
0x36: {  	p1 =	seq.s32 s10, $0x1;
	s10 =	sld [smem:$0x3FBB];
	_ =	sdelay $0x3  }
0x37: {  	[smem:$0x3FBB] =	sst s10  }
0x38: {  	s10 =	sld [smem:$0x3FBC]  }
0x39: {  	_ = 	snop;
	(pc) =	sbr.ind lr, $3  }
0x3a: {  	_ = 	snop  }
0x3b: {  	_ = 	snop  }
0x3c: {  	p2 =	seq.s32 s10, $0x1;
	s10 =	sld [smem:$0x3FBB]  }
0x3d: {  	_ =	shalt  }
0x3e: {  	_ =	shalt  }
0x3f: {  	_ =	shalt  }
0x40: {  	_ =	shalt  }
0x41: {  	_ =	shalt  }
0x42: {  	_ =	shalt  }
0x43: {  	_ =	shalt  }
0x44: {  	_ =	shalt  }
0x45: {  	_ =	shalt  }
0x46: {  	_ =	shalt  }
0x47: {  	_ =	shalt  }
0x48: {  	_ =	shalt  }
0x49: {  	_ =	shalt  }
0x4a: {  	_ =	shalt  }
0x4b: {  	_ =	shalt  }
0x4c: {  	_ =	shalt  }
0x4d: {  	_ =	shalt  }
0x4e: {  	_ =	shalt  }
0x4f: {  	_ =	shalt  }
0x50: {  	_ =	shalt  }
0x51: {  	_ =	shalt  }
0x52: {  	_ =	shalt  }
0x53: {  	_ =	shalt  }
0x54: {  	_ =	shalt  }
0x55: {  	_ =	shalt  }
0x56: {  	_ =	shalt  }
0x57: {  	_ =	shalt  }
0x58: {  	_ =	shalt  }
0x59: {  	_ =	shalt  }
0x5a: {  	_ =	shalt  }
0x5b: {  	_ =	shalt  }
0x5c: {  	_ =	shalt  }
0x5d: {  	_ =	shalt  }
0x5e: {  	_ =	shalt  }
0x5f: {  	_ =	shalt  }
0x60: {  	_ =	shalt  }
0x61: {  	_ =	shalt  }
0x62: {  	_ =	shalt  }
0x63: {  	_ =	shalt  }
0x64: {  	_ =	shalt  }
0x65: {  	_ =	shalt  }
0x66: {  	_ =	shalt  }
0x67: {  	_ =	shalt  }
0x68: {  	_ =	shalt  }
0x69: {  	_ =	shalt  }
0x6a: {  	_ =	shalt  }
0x6b: {  	_ =	shalt  }
0x6c: {  	_ =	shalt  }
0x6d: {  	_ =	shalt  }
0x6e: {  	_ =	shalt  }
0x6f: {  	_ =	shalt  }
0x70: {  	_ =	shalt  }
0x71: {  	_ =	shalt  }
0x72: {  	_ =	shalt  }
0x73: {  	_ =	shalt  }
0x74: {  	_ =	shalt  }
0x75: {  	_ =	shalt  }
0x76: {  	_ =	shalt  }
0x77: {  	_ =	shalt  }
0x78: {  	_ =	shalt  }
0x79: {  	_ =	shalt  }
0x7a: {  	_ =	shalt  }
0x7b: {  	_ =	shalt  }
0x7c: {  	_ =	shalt  }
0x7d: {  	_ =	shalt  }
0x7e: {  	_ =	shalt  }
0x7f: {  	_ =	shalt  }
0x80: {  	_ =	shalt  }
0x81: {  	_ =	shalt  }
0x82: {  	_ =	shalt  }
0x83: {  	_ =	shalt  }
0x84: {  	_ =	shalt  }
0x85: {  	_ =	shalt  }
0x86: {  	_ =	shalt  }
0x87: {  	_ =	shalt  }
.Lfunc_end0:
.L_simem_size_0:
called_computation_lowered:
.L_overlay_start_0:
0x88: {  	s2 =	sld [smem:$0x3FD9]  }
0x89: {  	s3 =	sld [smem:$0x3FFE];
	_ =	sdelay $0x1  }
0x8a: {  	s1 =	srdreg.scid  }
0x8b: {  	s0 =	sand.u32 $0x1, s1  }
0x8c: {  	s15 =	sshll.u32 s0, $0xA;
	s2 =	sadd.s32 s3, s2  }
0x8d: {  	s2 =	sadd.s32 s2, s15  }
0x8e: {  	[smem:$0x3FC7] =	sst s2  }
0x8f: {  	_ = 	snop  }
0x90: {  	s2 =	sld [smem:$0x3FD0];
	_ =	sdelay $0x2  }
0x91: {  	s4 =	simm.s32 $0xA;
	s5 =	simm.s32 $0x10;
	s16 =	sld [smem:$0x3FC9]  }
0x92: {  	[smem:s5], [sflag:s4] =	dma.local [hbm:s2], $0x1  }
0x93: {  	_ =	swait.eq [sflag:s4], $0x1  }
0x94: {  	[sflag:s4] =	ssyncset.done $0x0  }
0x95: {  	s17 =	sld [smem:$0x10];
	[sflag:s4] =	ssyncadd.s32 $0xFFFFFFFF  }
0x96: {  	s18 =	sld [smem:$0x11];
	(tm) =	ssettm $0x1  }
0x97: {  	s19 =	sld [smem:$0x3FFB];
	_ =	sdelay $0x3  }
0x98: {  	_ =	strace s19  }
0x99: {  	s5 =	sld [smem:$0x3FFC];
	_ =	sdelay $0x3  }
0x9a: {  	_ =	strace s5  }
0x9b: {  	s5 =	sld [smem:$0x3FFD];
	_ =	sdelay $0x3  }
0x9c: {  	_ =	strace s5  }
0x9d: {  	_ =	strace $0x8FFFFFFF  }
0x9e: {  	s20 =	sld [smem:$0x3FDB];
	_ =	sdelay $0x1  }
0x9f: {  	s6 =	simm.s32 $_scs_section_size  }
0xa0: {  	s7 =	simm.s32 $_size__tile_overlayer_lowered;
	s8 =	simm.s32 $_tile_overlayer_lowered  }
0xa1: {  	s23 =	simm.s32 $0x1BFF;
	s22 =	sshll.u32 s8, $0x1;
	s5 =	sadd.s32 s6, s20  }
0xa2: {  	s9 =	simm.s32 $0x0;
	s21 =	sshll.u32 s7, $0x1;
	s7 =	sadd.s32 s22, s5  }
0xa3: {  	[timem:s9], [sflag:s23] =	dma.local [hbm:s7], s21  }
0xa4: {  	_ =	swait.ge [sflag:s23], s21  }
0xa5: {  	s6 =	ssub.s32 $0x0, s21;
	[sflag:s23] =	ssyncset.done $0x0  }
0xa6: {  	[sflag:s23] =	ssyncadd.s32 s6;
	_ =	sdelay $0x1  }
0xa7: {  	s24 =	simm.s32 $0x1B8B  }
0xa8: {  	_ =	swait.ge [sflag:s24], $0x1  }
0xa9: {  	[sflag:s24] =	ssyncset.done $0x0  }
0xaa: {  	s25 =	simm.s32 $0x1B8E;
	[sflag:s24] =	ssyncadd.s32 $0xFFFFFFFF  }
0xab: {  	s26 =	simm.s32 $execute0_lowered;
	[smem:$0x3FD2] =	sst s25  }
0xac: {  	s6 =	sshll.u32 s26, $0x1;
	_ =	strace $0x80000046;
	[dreg:$0x1] =	wrdreg $0xFFFFFFFF  }
0xad: {  	s28 =	simm.s32 $_size_execute0_lowered;
	s5 =	sadd.s32 s5, s6;
	[dreg:$0x0] =	wrdreg $0x0  }
0xae: {  	s6 =	sshll.u32 s28, $0x1;
	[dreg:$0x2] =	wrdreg s5  }
0xaf: {  	[dreg:$0x3] =	wrdreg s6  }
0xb0: {  	[dreg:$0x4] =	wrdreg $0xC0  }
0xb1: {  	_ =	task [dreg:s9], $0x5FFFF  }
0xb2: {  	[dreg:$0x1] =	wrdreg $0xFFFFFFFF  }
0xb3: {  	[dreg:$0x0] =	wrdreg $0x60  }
0xb4: {  	[dreg:$0x2] =	wrdreg s16  }
0xb5: {  	[dreg:$0x3] =	wrdreg s17  }
0xb6: {  	[dreg:$0x4] =	wrdreg s18  }
0xb7: {  	[dreg:$0x5] =	wrdreg $0x9  }
0xb8: {  	_ =	task.clear_ibuf [dreg:s9], $0x6FFFF;
	_ =	strace $0x90000046  }
0xb9: {  	s29 =	simm.s32 $0x9;
	_ =	strace $0x80000048  }
0xba: {  	_ =	swait.ge [sflag:s29], $0x1  }
0xbb: {  	[sflag:s29] =	ssyncadd.s32 $0xFFFFFFFF  }
0xbc: {  	_ =	strace $0x90000048  }
0xbd: {  	_ =	sfence  }
0xbe: {  	s30 =	sld [smem:$0x0];
	_ =	sdelay $0x2  }
0xbf: {  	s31 =	sshll.u32 s1, $0xD;
	s1 =	sshrl.u32 s1, $0x2  }
0xc0: {  	s3 =	sand.u32 $0x4000, s31;
	s1 =	sadd.s32 s1, s30  }
0xc1: {  	s0 =	sor.u32 s3, s0;
	s1 =	sshll.u32 s1, $0x11  }
0xc2: {  	s0 =	sor.u32 s1, s0  }
0xc3: {  	s0 =	sadd.s32 $0x8F2B, s0  }
0xc4: {  	[sflag:s0] =	ssyncadd.remote.s32 $0x1  }
0xc5: {  	_ =	sfence.sel $0xFFFF  }
0xc6: {  	[dreg:$0x0] =	wrdreg $0xFFFFFFFF;
	(pc) =	sbr.abs _section_cstart, $3  }
0xc7: {  	[dreg:$0x1] =	wrdreg $0xFFFFFFFF  }
0xc8: {  	_ =	task.clear_ibuf [dreg:s9], $0x2FFFF;
	_ =	strace $0x9FFFFFFF  }
0xc9: {  	(tm) =	ssettm $0x7FFFFFFF  }
tec
execute0_lowered:
.L_overlay_start_1:
0x0: {  	(tag) =	ssettag $0x1  }
0x1: {  	s8 =	rddreg [dreg:$0x0]  }
0x2: {  	s2 =	rddreg [dreg:$0x1];
	s1 =	srdreg.scid  }
0x3: {  	s0 =	stileid.u32;
	s3 =	rddreg [dreg:$0x2];
	s4 =	simm.s32 $0x0  }
0x4: {  	s14 =	simm.s32 $0x8000;
	s15 =	simm.s32 $0x10000;
	s16 =	simm.s32 $0x2  }
0x5: {  	s17 =	simm.s32 $0x18000;
	s18 =	simm.s32 $0x3;
	s19 =	simm.s32 $0x4  }
0x6: {  	s5 =	sand.u32 $0x1, s1;
	s6 =	sshll.u32 s0, $0x1;
	s1 =	rddreg [dreg:$0x3]  }
0x7: {  	s20 =	simm.s32 $0x1;
	[smem:$0x7FF] =	sst s4;
	s21 =	sor.u32 s5, s6  }
0x8: {  	_ =	strace $0x80000047;
	s7 =	ssub.s32 $0x2, s5;
	s6 =	smul.u32 $0x7, s21  }
0x9: {  	s9 =	sshrl.u32 s7, $0x1;
	s5 =	smul.u32 $0x3A, s21;
	p0 =	sne.s32 s21, $0x1F  }
0xa: {  	p1 =	seq.s32 s21, $0x1F;
	p2 =	seq.s32 s21, $0x0;
	p4 =	sne.s32 s21, $0x0  }
0xb: {  	s13 =	ssub.s32 s7, s9;
	p3 =	sne.s32 @!p2 s21, $0x1F;
	s21 =	simm.s32 $0x0  }
0xc: {  	s10 =	smin.u32 s6, $0xCC;
	s6 =	smin.u32 s6, $0xC5;
	s29 =	smin.u32 s5, $0x6F9  }
0xd: {  	s13 =	smax.u32 s13, $0x1;
	p3 =	por p3, p2;
	s6 =	sadd.s32 $0x3, s6  }
.Ltmp0:
0xe: {  	s11 =	sadd.s32 $0x4, s10;
	s28 =	smin.u32 s10, s6;
	(pc) =	sbr.rel .LBB2_1-.Ltmp0, $4  }
0xf: {  	s9 =	sadd.s32 $0x36, s29;
	s6 =	smin.u32 s11, s6;
	s7 =	sshll.u32 s28, $0xA  }
0x10: {  	s10 =	sadd.s32 $0x1CCC00, s2;
	s30 =	sshll.u32 s6, $0xA;
	s31 =	sadd.s32 $0x1CD000, s7  }
0x11: {  	s6 =	sadd.s32 $0x1CCC00, s8;
	s12 =	sadd.s32 $0x1CD000, s30;
	s7 =	sadd.s32 s8, s31  }
0x12: {  	v0 =	vimm.f32 $0.0e+00;
	s8 =	sadd.s32 s8, s12;
	s11 =	sadd.s32 s2, s31;
	s12 =	sadd.s32 s2, s12  }
.LBB2_6:
0x13: {  	v1 =	vimm.s32 @!p4 $0x3999  }
0x14: {  	s22 =	simm.s32 @!p4 $0x0;
	s23 =	simm.s32 @!p4 $0x1A000;
	[tilespmem:$0x1A000] =	vst @!p4 v1  }
0x15: {  	[hbm4b:s3+s22] =	stream.linear.scatter @!p4 [tilespmem:s23], [sflag:$0x1], $0x80, $0x38;
	[tilespmem:$0x1A080] =	vst v63  }
.LBB2_10:
0x16: {  	_ =	swait.ge [sflag:s18], $0x8000  }
0x17: {  	[sflag:s18] =	ssyncset.done $0x0  }
0x18: {  	[sflag:s18] =	ssyncadd.s32 $0xFFFF8000  }
0x19: {  	[hbm4b:s11+s4] =	stream.linear.scatter [tilespmem:s14], [sflag:$0x1], $0x8000, $0x38;
	[tilespmem:$0x1A080] =	vst v63  }
0x1a: {  	_ =	swait.ge [sflag:s19], $0x8000  }
0x1b: {  	[sflag:s19] =	ssyncset.done $0x0  }
0x1c: {  	[sflag:s19] =	ssyncadd.s32 $0xFFFF8000  }
0x1d: {  	[hbm4b:s12+s4] =	stream.linear.scatter [tilespmem:s15], [sflag:$0x1], $0x8000, $0x38;
	[tilespmem:$0x1A080] =	vst v63  }
0x1e: {  	_ =	swait.ge [sflag:s20], $0x8000  }
0x1f: {  	[sflag:s20] =	ssyncset.done $0x0  }
0x20: {  	[sflag:s20] =	ssyncadd.s32 $0xFFFF8000  }
0x21: {  	_ =	swait.ge [sflag:s20], $0x8000  }
0x22: {  	[sflag:s20] =	ssyncset.done $0x0  }
0x23: {  	[sflag:s20] =	ssyncadd.s32 $0xFFFF8000  }
0x24: {  	_ =	swait.ge [sflag:s20], $0x8000  }
0x25: {  	[sflag:s20] =	ssyncset.done $0x0  }
0x26: {  	[sflag:s20] =	ssyncadd.s32 $0xFFFF8000  }
0x27: {  	_ =	swait.ge [sflag:s20], $0x8000  }
0x28: {  	[sflag:s20] =	ssyncset.done $0x0  }
0x29: {  	[sflag:s20] =	ssyncadd.s32 $0xFFFF8000  }
0x2a: {  	_ =	swait.ge [sflag:s20], $0x8000  }
0x2b: {  	[sflag:s20] =	ssyncset.done $0x0  }
0x2c: {  	[sflag:s20] =	ssyncadd.s32 $0xFFFF8000  }
0x2d: {  	_ =	swait.ge [sflag:s20], $0x8000  }
0x2e: {  	[sflag:s20] =	ssyncset.done $0x0  }
0x2f: {  	[sflag:s20] =	ssyncadd.s32 $0xFFFF8000  }
0x30: {  	_ =	swait.ge [sflag:s20], $0x8000  }
0x31: {  	[sflag:s20] =	ssyncset.done $0x0  }
0x32: {  	[sflag:s20] =	ssyncadd.s32 $0xFFFF8000  }
0x33: {  	_ =	swait.ge [sflag:s20], $0x8000  }
0x34: {  	[sflag:s20] =	ssyncset.done $0x0  }
0x35: {  	[sflag:s20] =	ssyncadd.s32 $0xFFFF8000  }
0x36: {  	_ =	swait.ge [sflag:s20], $0x8000  }
0x37: {  	[sflag:s20] =	ssyncset.done $0x0  }
0x38: {  	[sflag:s20] =	ssyncadd.s32 $0xFFFF8000  }
0x39: {  	_ =	swait.ge [sflag:s20], $0x8000  }
0x3a: {  	[sflag:s20] =	ssyncset.done $0x0  }
0x3b: {  	[sflag:s20] =	ssyncadd.s32 $0xFFFF8000  }
0x3c: {  	_ =	swait.ge [sflag:s20], $0x8000  }
0x3d: {  	[sflag:s20] =	ssyncset.done $0x0  }
0x3e: {  	[sflag:s20] =	ssyncadd.s32 $0xFFFF8000  }
0x3f: {  	_ =	swait.ge [sflag:s20], $0x8000  }
0x40: {  	[sflag:s20] =	ssyncset.done $0x0  }
0x41: {  	[sflag:s20] =	ssyncadd.s32 $0xFFFF8000  }
0x42: {  	_ =	swait.ge [sflag:s20], $0x8000  }
0x43: {  	[sflag:s20] =	ssyncset.done $0x0  }
0x44: {  	[sflag:s20] =	ssyncadd.s32 $0xFFFF8000  }
0x45: {  	_ =	swait.ge [sflag:s20], $0x8000  }
0x46: {  	[sflag:s20] =	ssyncset.done $0x0  }
0x47: {  	[sflag:s20] =	ssyncadd.s32 $0xFFFF8000  }
0x48: {  	_ =	swait.ge [sflag:s20], $0x8000  }
0x49: {  	[sflag:s20] =	ssyncset.done $0x0  }
0x4a: {  	[sflag:s20] =	ssyncadd.s32 $0xFFFF8000  }
0x4b: {  	_ =	swait.ge [sflag:s20], $0x8000  }
0x4c: {  	[sflag:s20] =	ssyncset.done $0x0  }
0x4d: {  	[sflag:s20] =	ssyncadd.s32 $0xFFFF8000  }
0x4e: {  	_ =	swait.ge [sflag:s20], $0x8000  }
0x4f: {  	[sflag:s20] =	ssyncset.done $0x0  }
0x50: {  	s22 =	simm.s32 @p2 $0x1;
	s21 =	sadd.s32 $0x1, s21;
	[sflag:s20] =	ssyncadd.s32 $0xFFFF8000  }
0x51: {  	p5 =	sne.s32 s21, s13;
	_ =	swait.ge @p2 [sflag:s22], $0x80  }
.Ltmp1:
0x52: {  	[sflag:s22] =	ssyncset.done @p2 $0x0;
	(pc) =	sbr.rel @!p5 .LBB2_11-.Ltmp1, $4  }
0x53: {  	[sflag:s22] =	ssyncadd.s32 @p2 $0xFFFFFF80;
	s22 =	simm.s32 @!p3 $0x1  }
0x54: {  	_ =	swait.ge @!p3 [sflag:s22], $0x2000  }
0x55: {  	[sflag:s22] =	ssyncset.done @!p3 $0x0  }
0x56: {  	[sflag:s22] =	ssyncadd.s32 @!p3 $0xFFFFE000  }
.LBB2_1:
0x57: {  	s22 =	simm.s32 @!p0 $0x0  }
0x58: {  	s23 =	simm.s32 @!p0 $0x18000;
	s30 =	simm.s32 $0x0;
	s31 =	sand.u32 $0x6000, s4  }
0x59: {  	[tilespmem:s23], [sflag:$0x2] =	stream.linear.gather @!p0 [hbm4b:s6+s22], $0x2000, $0x38;
	[tilespmem:$0x1A080] =	vst v63  }
0x5a: {  	s24 =	simm.s32 $0x0;
	s22 =	sand.u32 $0x6000, s30;
	s23 =	sshrl.u32 s31, $0x2  }
0x5b: {  	s24 =	sand.u32 $0x380, s24;
	s22 =	sor.u32 s23, s22  }
0x5c: {  	[tilespmem:s14], [sflag:$0x3] =	stream.linear.gather [hbm4b:s7+s4], $0x8000, $0x38;
	[tilespmem:$0x1A080] =	vst v63  }
0x5d: {  	s22 =	sor.u32 s24, s22  }
0x5e: {  	[tilespmem:s15], [sflag:$0x4] =	stream.linear.gather [hbm4b:s8+s4], $0x8000, $0x38;
	[tilespmem:$0x1A080] =	vst v63  }
0x5f: {  	[tilespmem:s22+$0x470] =	vst v0  }
0x60: {  	[tilespmem:s22+$0x0] =	vst v0  }
0x61: {  	[tilespmem:s22+$0x10] =	vst v0  }
0x62: {  	[tilespmem:s22+$0x20] =	vst v0  }
0x63: {  	[tilespmem:s22+$0x30] =	vst v0  }
0x64: {  	[tilespmem:s22+$0x40] =	vst v0  }
0x65: {  	[tilespmem:s22+$0x50] =	vst v0  }
0x66: {  	[tilespmem:s22+$0x60] =	vst v0  }
0x67: {  	[tilespmem:s22+$0x70] =	vst v0  }
0x68: {  	[tilespmem:s22+$0x400] =	vst v0  }
0x69: {  	[tilespmem:s22+$0x410] =	vst v0  }
0x6a: {  	s25 =	simm.s32 $0x20;
	s23 =	simm.s32 $0x2000;
	[tilespmem:s22+$0x420] =	vst v0  }
0x6b: {  	s26 =	simm.s32 $0x100;
	s28 =	sand.u32 $0x6000, s23;
	s24 =	simm.s32 $0x2;
	[tilespmem:s22+$0x430] =	vst v0  }
.LBB2_2:
0x6c: {  	p5 =	sne.s32 s24, $0x7F;
	s26 =	sand.u32 $0x6000, s26;
	s28 =	sshrl.u32 s28, $0x2;
	[tilespmem:s22+$0x440] =	vst v0  }
0x6d: {  	s25 =	sand.u32 $0x380, s25;
	s26 =	sor.u32 s28, s26;
	[tilespmem:s22+$0x450] =	vst v0  }
0x6e: {  	[tilespmem:s22+$0x460] =	vst v0;
	s22 =	sor.u32 s25, s26  }
0x6f: {  	[tilespmem:s22+$0x470] =	vst v0  }
0x70: {  	[tilespmem:s22+$0x0] =	vst v0  }
0x71: {  	[tilespmem:s22+$0x10] =	vst v0  }
0x72: {  	[tilespmem:s22+$0x20] =	vst v0  }
0x73: {  	[tilespmem:s22+$0x30] =	vst v0  }
0x74: {  	[tilespmem:s22+$0x40] =	vst v0  }
0x75: {  	[tilespmem:s22+$0x50] =	vst v0  }
0x76: {  	[tilespmem:s22+$0x60] =	vst v0  }
.Ltmp2:
0x77: {  	[tilespmem:s22+$0x70] =	vst v0;
	(pc) =	sbr.rel @p5 .LBB2_2-.Ltmp2, $4  }
0x78: {  	[tilespmem:s22+$0x400] =	vst v0  }
0x79: {  	[tilespmem:s22+$0x410] =	vst v0  }
0x7a: {  	s23 =	sadd.s32 $0x2000, s23;
	s25 =	sshll.u32 s24, $0x5;
	[tilespmem:s22+$0x420] =	vst v0  }
0x7b: {  	s28 =	sand.u32 $0x6000, s23;
	s26 =	sshll.u32 s24, $0x8;
	s24 =	sadd.s32 $0x1, s24;
	[tilespmem:s22+$0x430] =	vst v0  }
0x7c: {  	s23 =	sand.u32 $0x6000, s26;
	s24 =	sshrl.u32 s28, $0x2;
	[tilespmem:s22+$0x440] =	vst v0  }
0x7d: {  	s25 =	sand.u32 $0x380, s25;
	[tilespmem:s22+$0x450] =	vst v0;
	s23 =	sor.u32 s24, s23  }
0x7e: {  	[tilespmem:s22+$0x460] =	vst v0;
	s23 =	sor.u32 s25, s23  }
0x7f: {  	[tilespmem:s23+$0x470] =	vst v0  }
0x80: {  	[tilespmem:s23+$0x0] =	vst v0  }
0x81: {  	[tilespmem:s23+$0x10] =	vst v0  }
0x82: {  	[tilespmem:s23+$0x20] =	vst v0  }
0x83: {  	[tilespmem:s23+$0x30] =	vst v0  }
0x84: {  	[tilespmem:s23+$0x40] =	vst v0  }
0x85: {  	[tilespmem:s23+$0x50] =	vst v0  }
0x86: {  	[tilespmem:s23+$0x60] =	vst v0  }
0x87: {  	[tilespmem:s23+$0x70] =	vst v0  }
0x88: {  	[tilespmem:s23+$0x400] =	vst v0  }
0x89: {  	[tilespmem:s23+$0x410] =	vst v0  }
0x8a: {  	s22 =	sadd.s32 $0x0, s5;
	[tilespmem:s23+$0x420] =	vst v0  }
0x8b: {  	p5 =	slt.s32 s22, s9;
	s24 =	smov.u32 s9;
	[tilespmem:s23+$0x430] =	vst v0  }
0x8c: {  	s24 =	smov.u32 @p5 s22;
	[tilespmem:s23+$0x440] =	vst v0  }
0x8d: {  	[tilespmem:s23+$0x450] =	vst v0;
	s24 =	sshll.u32 s24, $0xA  }
0x8e: {  	s22 =	simm.s32 $0x4;
	[tilespmem:s23+$0x460] =	vst v0;
	s23 =	sadd.s32 s2, s24  }
.LBB2_4:
0x8f: {  	[hbm4b:s23+s4] =	stream.linear.scatter [tilespmem:s4], [sflag:$0x1], $0x8000, $0x38;
	[tilespmem:$0x1A080] =	vst v63  }
0x90: {  	p5 =	sne.s32 s22, $0x38  }
.Ltmp3:
0x91: {  	s23 =	sadd.s32 s22, s5;
	(pc) =	sbr.rel @p5 .LBB2_4-.Ltmp3, $4  }
0x92: {  	s22 =	sadd.s32 $0x4, s22;
	s24 =	smov.u32 s9;
	p6 =	slt.s32 s23, s9  }
0x93: {  	s24 =	smov.u32 @p6 s23  }
0x94: {  	s23 =	sshll.u32 s24, $0xA  }
0x95: {  	s23 =	sadd.s32 s2, s23  }
.Ltmp4:
0x96: {  	(pc) =	sbr.rel @!p1 .LBB2_6-.Ltmp4, $2  }
0x97: {  	_ =	sdelay $0x2  }
0x98: {  	[hbm4b:s23+s4] =	stream.linear.scatter [tilespmem:s4], [sflag:$0x1], $0x8000, $0x38;
	[tilespmem:$0x1A080] =	vst v63  }
0x99: {  	_ =	swait.ge [sflag:s16], $0x2000;
	s22 =	simm.s32 $0x0  }
0x9a: {  	[sflag:s16] =	ssyncset.done $0x0;
	s23 =	sand.u32 $0x70, s22;
	s24 =	sand.u32 $0x1C00, s22  }
0x9b: {  	[sflag:s16] =	ssyncadd.s32 $0xFFFFE000;
	s24 =	sor.u32 s23, s24  }
0x9c: {  	s23 =	simm.s32 $0x10;
	[tilespmem:s24+$0x18000] =	vst v0  }
.LBB2_8:
0x9d: {  	p5 =	sne.s32 s23, $0x3F0  }
.Ltmp5:
0x9e: {  	_ = 	snop;
	(pc) =	sbr.rel @p5 .LBB2_8-.Ltmp5, $4  }
0x9f: {  	s22 =	sadd.s32 $0x80, s22  }
0xa0: {  	s24 =	sand.u32 $0x70, s23;
	s25 =	sand.u32 $0x1C00, s22  }
0xa1: {  	s24 =	sor.u32 s24, s25  }
0xa2: {  	s23 =	sadd.s32 $0x10, s23;
	[tilespmem:s24+$0x18000] =	vst v0  }
.Ltmp6:
0xa3: {  	(pc) =	sbr.rel .LBB2_10-.Ltmp6, $2  }
0xa4: {  	_ =	sdelay $0x2  }
0xa5: {  	[hbm4b:s10+s4] =	stream.linear.scatter [tilespmem:s17], [sflag:$0x1], $0x2000, $0x38;
	[tilespmem:$0x1A080] =	vst v63  }
.LBB2_11:
0xa6: {  	_ =	sfence.sel $0x180000  }
0xa7: {  	[bflag:$0x0] =	sbarrier.arrive $0xFFFF  }
0xa8: {  	p0 =	sne.s32 s0, $0x0;
	_ =	strace $0x90000047  }
0xa9: {  	s0 =	sadd.s32 @!p0 $0x100000, s1;
	[bflag:$0x2] =	sbarrier.arrive $0xFFFF  }
0xaa: {  	[sflag:s0] =	ssyncadd.tile.s32 @!p0 $0x1;
	_ =	shalt  }
.Lfunc_end2:
_tile_overlayer_lowered:
.L_overlay_start_2:
0xab: {  	(tag) =	ssettag $0x2  }
0xac: {  	s0 =	rddreg [dreg:$0x0];
	s2 =	stileid.u32  }
0xad: {  	s1 =	rddreg [dreg:$0x1];
	p0 =	sne.s32 s2, $0x0  }
0xae: {  	s3 =	rddreg [dreg:$0x2];
	[bflag:$0x3] =	sbarrier.arrive $0xFFFF;
	s2 =	simm.s32 @!p0 $0x1C05  }
0xaf: {  	[timem:s3], [sflag:s2] =	dma.local @!p0 [hbm:s0], s1  }
0xb0: {  	s0 =	simm.s32 @!p0 $0x5  }
0xb1: {  	_ =	swait.ge @!p0 [sflag:s0], s1  }
0xb2: {  	s1 =	ssub.s32 @!p0 $0x0, s1;
	[sflag:s0] =	ssyncset.done @!p0 $0x0  }
0xb3: {  	[sflag:s0] =	ssyncadd.s32 @!p0 s1  }
0xb4: {  	[bflag:$0x3] =	sbarrier.arrive $0xFFFF  }
0xb5: {  	_ =	shalt  }

</sc_bundles>
